<compile_context>
chip_gen: v7x
topology: tpu7x:2x2x1
jax: 0.10.2.dev20260603
libtpu: 0.0.44.dev20260713+nightly
codegen_flags: <defaults>
</compile_context>

<pallas_src>
import functools

import jax
import jax.numpy as jnp
from jax import lax
from jax.experimental import pallas as pl
from jax.experimental.pallas import tpu as pltpu
from jax.experimental.pallas import tpu_sc as plsc

D = 64
CHUNK = 128
NWORKERS = 32
LANES = 16


def _sc_gather_add(table, idx1, idx2):
    rows = idx1.shape[0]
    rows_per_w = rows // NWORKERS
    nch = rows_per_w // CHUNK
    mesh = plsc.VectorSubcoreMesh(core_axis_name="c", subcore_axis_name="s")

    @functools.partial(
        pl.kernel,
        mesh=mesh,
        out_type=jax.ShapeDtypeStruct((rows, D), jnp.float32),
        scratch_types=[
            pltpu.VMEM((rows_per_w,), jnp.int32),
            pltpu.VMEM((rows_per_w,), jnp.int32),
            pltpu.VMEM((CHUNK, D), jnp.float32),
            pltpu.VMEM((CHUNK, D), jnp.float32),
            pltpu.SemaphoreType.DMA,
            pltpu.SemaphoreType.DMA,
        ],
        compiler_params=pltpu.CompilerParams(use_tc_tiling_on_sc=False),
    )
    def k(enc_hbm, i1_hbm, i2_hbm, out_hbm, i1_v, i2_v, r1_v, r2_v, sem1, sem2):
        wid = lax.axis_index("s") * 2 + lax.axis_index("c")
        rbase = wid * rows_per_w
        pltpu.sync_copy(i1_hbm.at[pl.ds(rbase, rows_per_w)], i1_v)
        pltpu.sync_copy(i2_hbm.at[pl.ds(rbase, rows_per_w)], i2_v)

        def chunk_body(j, _):
            isl = pl.ds(j * CHUNK, CHUNK)
            cp1 = pltpu.async_copy(enc_hbm.at[i1_v.at[isl]], r1_v, sem1)
            cp2 = pltpu.async_copy(enc_hbm.at[i2_v.at[isl]], r2_v, sem2)
            cp1.wait()
            cp2.wait()

            def add_body(i, _):
                for c in range(D // LANES):
                    sl = pl.ds(c * LANES, LANES)
                    r1_v[i, sl] = r1_v[i, sl] + r2_v[i, sl]
                return 0

            lax.fori_loop(0, CHUNK, add_body, 0)
            row_start = rbase + j * CHUNK
            pltpu.sync_copy(r1_v, out_hbm.at[pl.ds(row_start, CHUNK)])
            return 0

        lax.fori_loop(0, nch, chunk_body, 0)

    return k(table, idx1, idx2)


def _tc2_body(latp_ref, pe_ref, w1_ref, w2_ref, b_ref, out_ref):
    m = lax.dot_general(w2_ref[...], latp_ref[0], (((1,), (0,)), ((), ())),
                        preferred_element_type=jnp.float32)
    pe_t = lax.dot_general(w1_ref[...], pe_ref[0], (((1,), (1,)), ((), ())),
                           preferred_element_type=jnp.float32)
    out_ref[0] = m + pe_t + b_ref[...]


def _tc2(latp, pe3, w1, w2, bcol):
    npart, dm, nb = latp.shape
    return pl.pallas_call(
        _tc2_body,
        grid=(npart,),
        in_specs=[
            pl.BlockSpec((1, dm, nb), lambda p: (p, 0, 0)),
            pl.BlockSpec((1, nb, dm), lambda p: (p, 0, 0)),
            pl.BlockSpec((dm, dm), lambda p: (0, 0)),
            pl.BlockSpec((dm, dm), lambda p: (0, 0)),
            pl.BlockSpec((dm, 1), lambda p: (0, 0)),
        ],
        compiler_params=pltpu.CompilerParams(
            dimension_semantics=("arbitrary",),
        ),
        out_specs=pl.BlockSpec((1, dm, nb), lambda p: (p, 0, 0)),
        out_shape=jax.ShapeDtypeStruct((npart, dm, nb), jnp.float32),
    )(latp, pe3, w1, w2, bcol)


def kernel(dfn, dfn_fa, tokenized_parts_latent, encoding, W, b):
    nb, npart, dm = tokenized_parts_latent.shape
    idx1 = dfn.T.reshape(-1).astype(jnp.int32)
    idx2 = dfn_fa.T.reshape(-1).astype(jnp.int32)
    pe = _sc_gather_add(encoding, idx1, idx2)
    pe3 = pe.reshape(npart, nb, dm)

    latp = jnp.transpose(tokenized_parts_latent, (1, 2, 0))
    outp = _tc2(latp, pe3, W[:, :dm], W[:, dm:], b.reshape(dm, 1))
    return jnp.transpose(outp, (2, 0, 1))

# --- scband reference (transcript-rebuilt; emitter-appended) ---
"""Pipeline reference for scband-native-cat-position-embedding-41472204210998 (READ-ONLY COPY).

The authoritative reference and input builder live on the scoring server;
editing this copy changes nothing except your own understanding.
"""

import jax, jax.numpy as jnp
import numpy as np

D_MODEL = 64
MAX_LEN = 100000
BATCH = 1024
N_PART = 200


def _build_encoding(max_len, d_model):
    pos = jnp.arange(0, max_len, dtype=jnp.float32)[:, None]
    _2i = jnp.arange(0, d_model, 2, dtype=jnp.float32)[None, :]
    enc = jnp.zeros((max_len, d_model), dtype=jnp.float32)
    enc = enc.at[:, 0::2].set(jnp.sin(pos / 10000 ** (_2i / d_model)))
    enc = enc.at[:, 1::2].set(jnp.cos(pos / 10000 ** (_2i / d_model)))
    return enc


def setup_inputs(seed: int = 0) -> dict:
    key = jax.random.key(seed)
    k1, k2, k3, k4, k5 = jax.random.split(key, 5)
    dfn = jax.random.randint(k1, (BATCH, N_PART), 0, MAX_LEN, dtype=jnp.int64 if jax.config.jax_enable_x64 else jnp.int32)
    dfn_fa = jax.random.randint(k2, (BATCH, N_PART), 0, MAX_LEN, dtype=jnp.int64 if jax.config.jax_enable_x64 else jnp.int32)
    tokenized_parts_latent = jax.random.normal(k3, (BATCH, N_PART, D_MODEL), dtype=jnp.float32)
    encoding = _build_encoding(MAX_LEN, D_MODEL)
    # nn.Linear(2*d_model, d_model): weight [d_model, 2*d_model], bias [d_model]
    bound = 1.0 / np.sqrt(2 * D_MODEL)
    W = jax.random.uniform(k4, (D_MODEL, 2 * D_MODEL), dtype=jnp.float32, minval=-bound, maxval=bound)
    b = jax.random.uniform(k5, (D_MODEL,), dtype=jnp.float32, minval=-bound, maxval=bound)
    return {"dfn": dfn, "dfn_fa": dfn_fa, "tokenized_parts_latent": tokenized_parts_latent,
            "encoding": encoding, "W": W, "b": b}


def reference(dfn, dfn_fa, tokenized_parts_latent, encoding, W, b):
    n_batch, n_part, d_model = tokenized_parts_latent.shape
    tokenized_parts_list = tokenized_parts_latent.reshape(-1, d_model)
    dfn_list = dfn.reshape(-1)
    dfn_fa_list = dfn_fa.reshape(-1)
    dfn_embedding = jnp.take(encoding, dfn_list, axis=0)
    dfn_fa_embedding = jnp.take(encoding, dfn_fa_list, axis=0)
    position_embedding = dfn_embedding + dfn_fa_embedding
    embedded = jnp.concatenate((position_embedding, tokenized_parts_list), axis=-1)
    embedded = embedded @ W.T + b
    return embedded.reshape(n_batch, n_part, d_model)

if __name__ == "__main__":
    import jax
    _d = setup_inputs()
    print(jax.jit(kernel)(*tuple(_d.values())))

</pallas_src>

<mosaic_0001>
#map = affine_map<(d0, d1) -> (0, 0)>
#map1 = affine_map<(d0, d1) -> (0)>
module attributes {stable_mosaic.version = 14 : i64} {
  func.func @k(%arg0: i32, %arg1: i32, %arg2: memref<100000x64xf32, #tpu.memory_space<hbm>>, %arg3: memref<204800xi32, #tpu.memory_space<hbm>>, %arg4: memref<204800xi32, #tpu.memory_space<hbm>>, %arg5: memref<204800x64xf32, #tpu.memory_space<hbm>>, %arg6: memref<6400xi32, #tpu.memory_space<vmem>>, %arg7: memref<6400xi32, #tpu.memory_space<vmem>>, %arg8: memref<128x64xf32, #tpu.memory_space<vmem>>, %arg9: memref<128x64xf32, #tpu.memory_space<vmem>>, %arg10: memref<!tpu.dma_semaphore, #tpu.memory_space<semaphore_mem>>, %arg11: memref<!tpu.dma_semaphore, #tpu.memory_space<semaphore_mem>>) attributes {dimension_semantics = [#tpu.dimension_semantics<core_parallel>, #tpu.dimension_semantics<subcore_parallel>], iteration_bounds = array<i64: 2, 16>, scalar_prefetch = 0 : i64, scratch_operands = 6 : i64, tpu.core_type = #tpu.core_type<sc_vector_subcore>, window_params = [{transform_indices = #map}, {transform_indices = #map1}, {transform_indices = #map1}, {transform_indices = #map}]} {
    %mul3A = arith.constant 2 : i32
    %mul3A_0 = arith.muli %arg1, %mul3A : i32
    %add3A = arith.addi %mul3A_0, %arg0 : i32
    %mul3A_1 = arith.constant 6400 : i32
    %mul3A_2 = arith.muli %add3A, %mul3A_1 : i32
    "tpu.region"() ({
      %run_scoped3A = tpu.sem_alloc : memref<!tpu.dma_semaphore, #tpu.memory_space<semaphore_mem>>
      %dma_start3A = tpu.memref_slice %arg3[%mul3A_2] : memref<204800xi32, #tpu.memory_space<hbm>> -> memref<6400xi32, #tpu.memory_space<hbm>>
      %dma_start3A_9 = tpu.memref_slice %arg3[%mul3A_2] : memref<204800xi32, #tpu.memory_space<hbm>> -> memref<6400xi32, #tpu.memory_space<hbm>>
      tpu.enqueue_dma source(%dma_start3A_9 : memref<6400xi32, #tpu.memory_space<hbm>>) target(%arg6 : memref<6400xi32, #tpu.memory_space<vmem>>) target_semaphore(%run_scoped3A : memref<!tpu.dma_semaphore, #tpu.memory_space<semaphore_mem>>)
      %dma_wait3A = tpu.memref_slice %arg3[%mul3A_2] : memref<204800xi32, #tpu.memory_space<hbm>> -> memref<6400xi32, #tpu.memory_space<hbm>>
      %dma_wait3A_10 = tpu.memref_slice %arg3[%mul3A_2] : memref<204800xi32, #tpu.memory_space<hbm>> -> memref<6400xi32, #tpu.memory_space<hbm>>
      tpu.wait_dma2 semaphore(%run_scoped3A : memref<!tpu.dma_semaphore, #tpu.memory_space<semaphore_mem>>) src(%dma_wait3A_10 : memref<6400xi32, #tpu.memory_space<hbm>>) dst(%arg6 : memref<6400xi32, #tpu.memory_space<vmem>>)
      tpu.yield
    }) : () -> ()
    "tpu.region"() ({
      %run_scoped3A = tpu.sem_alloc : memref<!tpu.dma_semaphore, #tpu.memory_space<semaphore_mem>>
      %dma_start3A = tpu.memref_slice %arg4[%mul3A_2] : memref<204800xi32, #tpu.memory_space<hbm>> -> memref<6400xi32, #tpu.memory_space<hbm>>
      %dma_start3A_9 = tpu.memref_slice %arg4[%mul3A_2] : memref<204800xi32, #tpu.memory_space<hbm>> -> memref<6400xi32, #tpu.memory_space<hbm>>
      tpu.enqueue_dma source(%dma_start3A_9 : memref<6400xi32, #tpu.memory_space<hbm>>) target(%arg7 : memref<6400xi32, #tpu.memory_space<vmem>>) target_semaphore(%run_scoped3A : memref<!tpu.dma_semaphore, #tpu.memory_space<semaphore_mem>>)
      %dma_wait3A = tpu.memref_slice %arg4[%mul3A_2] : memref<204800xi32, #tpu.memory_space<hbm>> -> memref<6400xi32, #tpu.memory_space<hbm>>
      %dma_wait3A_10 = tpu.memref_slice %arg4[%mul3A_2] : memref<204800xi32, #tpu.memory_space<hbm>> -> memref<6400xi32, #tpu.memory_space<hbm>>
      tpu.wait_dma2 semaphore(%run_scoped3A : memref<!tpu.dma_semaphore, #tpu.memory_space<semaphore_mem>>) src(%dma_wait3A_10 : memref<6400xi32, #tpu.memory_space<hbm>>) dst(%arg7 : memref<6400xi32, #tpu.memory_space<vmem>>)
      tpu.yield
    }) : () -> ()
    %scan3A = arith.constant 0 : i32
    %scan3A_3 = arith.constant 0 : i32
    %scan3A_4 = arith.constant 50 : i32
    %scan3A_5 = arith.addi %scan3A_3, %scan3A_4 : i32
    %scan3A_6 = arith.constant 1 : i32
    %scan3A_7 = scf.for %scan3A_9 = %scan3A_3 to %scan3A_5 step %scan3A_6 iter_args(%scan3A_10 = %scan3A) -> (i32)  : i32 {
      %mul3A_11 = arith.constant 128 : i32
      %mul3A_12 = arith.muli %scan3A_9, %mul3A_11 : i32
      %dma_start3A = tpu.memref_slice %arg6[%mul3A_12] : memref<6400xi32, #tpu.memory_space<vmem>> -> memref<128xi32, #tpu.memory_space<vmem>>
      %dma_start3A_13 = arith.constant 0 : i32
      %dma_start3A_14 = arith.constant 0 : i32
      %dma_start3A_15 = tpu.memref_slice %arg2[%dma_start3A_13, %dma_start3A_14] : memref<100000x64xf32, #tpu.memory_space<hbm>> -> memref<100000x64xf32, #tpu.memory_space<hbm>>
      tpu.enqueue_indirect_dma source(%dma_start3A_15 : memref<100000x64xf32, #tpu.memory_space<hbm>>) target(%arg8 : memref<128x64xf32, #tpu.memory_space<vmem>>) offsets(%dma_start3A : memref<128xi32, #tpu.memory_space<vmem>>) semaphore(%arg10 : memref<!tpu.dma_semaphore, #tpu.memory_space<semaphore_mem>>)
      %dma_start3A_16 = tpu.memref_slice %arg7[%mul3A_12] : memref<6400xi32, #tpu.memory_space<vmem>> -> memref<128xi32, #tpu.memory_space<vmem>>
      %dma_start3A_17 = arith.constant 0 : i32
      %dma_start3A_18 = arith.constant 0 : i32
      %dma_start3A_19 = tpu.memref_slice %arg2[%dma_start3A_17, %dma_start3A_18] : memref<100000x64xf32, #tpu.memory_space<hbm>> -> memref<100000x64xf32, #tpu.memory_space<hbm>>
      tpu.enqueue_indirect_dma source(%dma_start3A_19 : memref<100000x64xf32, #tpu.memory_space<hbm>>) target(%arg9 : memref<128x64xf32, #tpu.memory_space<vmem>>) offsets(%dma_start3A_16 : memref<128xi32, #tpu.memory_space<vmem>>) semaphore(%arg11 : memref<!tpu.dma_semaphore, #tpu.memory_space<semaphore_mem>>)
      %dma_wait3A = tpu.memref_slice %arg6[%mul3A_12] : memref<6400xi32, #tpu.memory_space<vmem>> -> memref<128xi32, #tpu.memory_space<vmem>>
      %dma_wait3A_20 = arith.constant 0 : i32
      %dma_wait3A_21 = arith.constant 0 : i32
      %dma_wait3A_22 = tpu.memref_slice %arg2[%dma_wait3A_20, %dma_wait3A_21] : memref<100000x64xf32, #tpu.memory_space<hbm>> -> memref<100000x64xf32, #tpu.memory_space<hbm>>
      tpu.wait_indirect_dma semaphore(%arg10 : memref<!tpu.dma_semaphore, #tpu.memory_space<semaphore_mem>>) src(%dma_wait3A_22 : memref<100000x64xf32, #tpu.memory_space<hbm>>) dst(%arg8 : memref<128x64xf32, #tpu.memory_space<vmem>>)
      %dma_wait3A_23 = tpu.memref_slice %arg7[%mul3A_12] : memref<6400xi32, #tpu.memory_space<vmem>> -> memref<128xi32, #tpu.memory_space<vmem>>
      %dma_wait3A_24 = arith.constant 0 : i32
      %dma_wait3A_25 = arith.constant 0 : i32
      %dma_wait3A_26 = tpu.memref_slice %arg2[%dma_wait3A_24, %dma_wait3A_25] : memref<100000x64xf32, #tpu.memory_space<hbm>> -> memref<100000x64xf32, #tpu.memory_space<hbm>>
      tpu.wait_indirect_dma semaphore(%arg11 : memref<!tpu.dma_semaphore, #tpu.memory_space<semaphore_mem>>) src(%dma_wait3A_26 : memref<100000x64xf32, #tpu.memory_space<hbm>>) dst(%arg9 : memref<128x64xf32, #tpu.memory_space<vmem>>)
      %scan3A_27 = arith.constant 0 : i32
      %scan3A_28 = arith.constant 0 : i32
      %scan3A_29 = arith.constant 128 : i32
      %scan3A_30 = arith.addi %scan3A_28, %scan3A_29 : i32
      %scan3A_31 = arith.constant 1 : i32
      %scan3A_32 = scf.for %scan3A_38 = %scan3A_28 to %scan3A_30 step %scan3A_31 iter_args(%scan3A_39 = %scan3A_27) -> (i32)  : i32 {
        %get3A = arith.index_cast %scan3A_38 : i32 to index
        %get3A_40 = arith.constant 0 : index
        %get3A_41 = tpu.vector_load %arg8[%get3A, %get3A_40] {strides = array<i32>} : memref<128x64xf32, #tpu.memory_space<vmem>>, vector<1x16xf32>,
        %get3A_42 = vector.shape_cast %get3A_41 : vector<1x16xf32> to vector<16xf32>
        %get3A_43 = arith.index_cast %scan3A_38 : i32 to index
        %get3A_44 = arith.constant 0 : index
        %get3A_45 = tpu.vector_load %arg9[%get3A_43, %get3A_44] {strides = array<i32>} : memref<128x64xf32, #tpu.memory_space<vmem>>, vector<1x16xf32>,
        %get3A_46 = vector.shape_cast %get3A_45 : vector<1x16xf32> to vector<16xf32>
        %add3A_47 = arith.addf %get3A_42, %get3A_46 : vector<16xf32>
        %swap3A = arith.index_cast %scan3A_38 : i32 to index
        %swap3A_48 = arith.constant 0 : index
        %swap3A_49 = tpu.vector_load %arg8[%swap3A, %swap3A_48] {strides = array<i32>} : memref<128x64xf32, #tpu.memory_space<vmem>>, vector<1x16xf32>,
        %swap3A_50 = vector.shape_cast %swap3A_49 : vector<1x16xf32> to vector<16xf32>
        %swap3A_51 = vector.shape_cast %add3A_47 : vector<16xf32> to vector<1x16xf32>
        tpu.vector_store %arg8[%swap3A, %swap3A_48], %swap3A_51 {strides = array<i32>} : memref<128x64xf32, #tpu.memory_space<vmem>>, vector<1x16xf32>,
        %get3A_52 = arith.index_cast %scan3A_38 : i32 to index
        %get3A_53 = arith.constant 16 : index
        %get3A_54 = tpu.vector_load %arg8[%get3A_52, %get3A_53] {strides = array<i32>} : memref<128x64xf32, #tpu.memory_space<vmem>>, vector<1x16xf32>,
        %get3A_55 = vector.shape_cast %get3A_54 : vector<1x16xf32> to vector<16xf32>
        %get3A_56 = arith.index_cast %scan3A_38 : i32 to index
        %get3A_57 = arith.constant 16 : index
        %get3A_58 = tpu.vector_load %arg9[%get3A_56, %get3A_57] {strides = array<i32>} : memref<128x64xf32, #tpu.memory_space<vmem>>, vector<1x16xf32>,
        %get3A_59 = vector.shape_cast %get3A_58 : vector<1x16xf32> to vector<16xf32>
        %add3A_60 = arith.addf %get3A_55, %get3A_59 : vector<16xf32>
        %swap3A_61 = arith.index_cast %scan3A_38 : i32 to index
        %swap3A_62 = arith.constant 16 : index
        %swap3A_63 = tpu.vector_load %arg8[%swap3A_61, %swap3A_62] {strides = array<i32>} : memref<128x64xf32, #tpu.memory_space<vmem>>, vector<1x16xf32>,
        %swap3A_64 = vector.shape_cast %swap3A_63 : vector<1x16xf32> to vector<16xf32>
        %swap3A_65 = vector.shape_cast %add3A_60 : vector<16xf32> to vector<1x16xf32>
        tpu.vector_store %arg8[%swap3A_61, %swap3A_62], %swap3A_65 {strides = array<i32>} : memref<128x64xf32, #tpu.memory_space<vmem>>, vector<1x16xf32>,
        %get3A_66 = arith.index_cast %scan3A_38 : i32 to index
        %get3A_67 = arith.constant 32 : index
        %get3A_68 = tpu.vector_load %arg8[%get3A_66, %get3A_67] {strides = array<i32>} : memref<128x64xf32, #tpu.memory_space<vmem>>, vector<1x16xf32>,
        %get3A_69 = vector.shape_cast %get3A_68 : vector<1x16xf32> to vector<16xf32>
        %get3A_70 = arith.index_cast %scan3A_38 : i32 to index
        %get3A_71 = arith.constant 32 : index
        %get3A_72 = tpu.vector_load %arg9[%get3A_70, %get3A_71] {strides = array<i32>} : memref<128x64xf32, #tpu.memory_space<vmem>>, vector<1x16xf32>,
        %get3A_73 = vector.shape_cast %get3A_72 : vector<1x16xf32> to vector<16xf32>
        %add3A_74 = arith.addf %get3A_69, %get3A_73 : vector<16xf32>
        %swap3A_75 = arith.index_cast %scan3A_38 : i32 to index
        %swap3A_76 = arith.constant 32 : index
        %swap3A_77 = tpu.vector_load %arg8[%swap3A_75, %swap3A_76] {strides = array<i32>} : memref<128x64xf32, #tpu.memory_space<vmem>>, vector<1x16xf32>,
        %swap3A_78 = vector.shape_cast %swap3A_77 : vector<1x16xf32> to vector<16xf32>
        %swap3A_79 = vector.shape_cast %add3A_74 : vector<16xf32> to vector<1x16xf32>
        tpu.vector_store %arg8[%swap3A_75, %swap3A_76], %swap3A_79 {strides = array<i32>} : memref<128x64xf32, #tpu.memory_space<vmem>>, vector<1x16xf32>,
        %get3A_80 = arith.index_cast %scan3A_38 : i32 to index
        %get3A_81 = arith.constant 48 : index
        %get3A_82 = tpu.vector_load %arg8[%get3A_80, %get3A_81] {strides = array<i32>} : memref<128x64xf32, #tpu.memory_space<vmem>>, vector<1x16xf32>,
        %get3A_83 = vector.shape_cast %get3A_82 : vector<1x16xf32> to vector<16xf32>
        %get3A_84 = arith.index_cast %scan3A_38 : i32 to index
        %get3A_85 = arith.constant 48 : index
        %get3A_86 = tpu.vector_load %arg9[%get3A_84, %get3A_85] {strides = array<i32>} : memref<128x64xf32, #tpu.memory_space<vmem>>, vector<1x16xf32>,
        %get3A_87 = vector.shape_cast %get3A_86 : vector<1x16xf32> to vector<16xf32>
        %add3A_88 = arith.addf %get3A_83, %get3A_87 : vector<16xf32>
        %swap3A_89 = arith.index_cast %scan3A_38 : i32 to index
        %swap3A_90 = arith.constant 48 : index
        %swap3A_91 = tpu.vector_load %arg8[%swap3A_89, %swap3A_90] {strides = array<i32>} : memref<128x64xf32, #tpu.memory_space<vmem>>, vector<1x16xf32>,
        %swap3A_92 = vector.shape_cast %swap3A_91 : vector<1x16xf32> to vector<16xf32>
        %swap3A_93 = vector.shape_cast %add3A_88 : vector<16xf32> to vector<1x16xf32>
        tpu.vector_store %arg8[%swap3A_89, %swap3A_90], %swap3A_93 {strides = array<i32>} : memref<128x64xf32, #tpu.memory_space<vmem>>, vector<1x16xf32>,
        %scan3A_94 = arith.constant 0 : i32
        scf.yield %scan3A_94 : i32
      }
      %scan3A_33 = arith.constant 128 : i32
      %mul3A_34 = arith.constant 128 : i32
      %mul3A_35 = arith.muli %scan3A_9, %mul3A_34 : i32
      %add3A_36 = arith.addi %mul3A_2, %mul3A_35 : i32
      "tpu.region"() ({
        %run_scoped3A = tpu.sem_alloc : memref<!tpu.dma_semaphore, #tpu.memory_space<semaphore_mem>>
        %dma_start3A_38 = arith.constant 0 : i32
        %dma_start3A_39 = tpu.memref_slice %arg5[%add3A_36, %dma_start3A_38] : memref<204800x64xf32, #tpu.memory_space<hbm>> -> memref<128x64xf32, #tpu.memory_space<hbm>>
        %dma_start3A_40 = arith.constant 0 : i32
        %dma_start3A_41 = tpu.memref_slice %arg5[%add3A_36, %dma_start3A_40] : memref<204800x64xf32, #tpu.memory_space<hbm>> -> memref<128x64xf32, #tpu.memory_space<hbm>>
        tpu.enqueue_dma source(%arg8 : memref<128x64xf32, #tpu.memory_space<vmem>>) target(%dma_start3A_41 : memref<128x64xf32, #tpu.memory_space<hbm>>) target_semaphore(%run_scoped3A : memref<!tpu.dma_semaphore, #tpu.memory_space<semaphore_mem>>)
        %dma_wait3A_42 = arith.constant 0 : i32
        %dma_wait3A_43 = tpu.memref_slice %arg5[%add3A_36, %dma_wait3A_42] : memref<204800x64xf32, #tpu.memory_space<hbm>> -> memref<128x64xf32, #tpu.memory_space<hbm>>
        %dma_wait3A_44 = arith.constant 0 : i32
        %dma_wait3A_45 = tpu.memref_slice %arg5[%add3A_36, %dma_wait3A_44] : memref<204800x64xf32, #tpu.memory_space<hbm>> -> memref<128x64xf32, #tpu.memory_space<hbm>>
        tpu.wait_dma2 semaphore(%run_scoped3A : memref<!tpu.dma_semaphore, #tpu.memory_space<semaphore_mem>>) src(%arg8 : memref<128x64xf32, #tpu.memory_space<vmem>>) dst(%dma_wait3A_45 : memref<128x64xf32, #tpu.memory_space<hbm>>)
        tpu.yield
      }) : () -> ()
      %scan3A_37 = arith.constant 0 : i32
      scf.yield %scan3A_37 : i32
    }
    %scan3A_8 = arith.constant 50 : i32
    return
  }
}

module attributes {stable_mosaic.version = 14 : i64} {
  func.func @_tc2_body(%arg0: i32, %arg1: memref<1x64x1024xf32, #tpu.memory_space<vmem>>, %arg2: memref<1x1024x64xf32, #tpu.memory_space<vmem>>, %arg3: memref<64x64xf32, #tpu.memory_space<vmem>>, %arg4: memref<64x64xf32, #tpu.memory_space<vmem>>, %arg5: memref<64x1xf32, #tpu.memory_space<vmem>>, %arg6: memref<1x64x1024xf32, #tpu.memory_space<vmem>>) attributes {dimension_semantics = [#tpu.dimension_semantics<arbitrary>], iteration_bounds = array<i64: 200>, scalar_prefetch = 0 : i64, scratch_operands = 0 : i64, tpu.core_type = #tpu.core_type<tc>, window_params = [{transform_indices = @transform_0, window_bounds = array<i64: 1, 64, 1024>}, {transform_indices = @transform_1, window_bounds = array<i64: 1, 1024, 64>}, {pipeline_mode = #tpu.pipeline_mode<synchronous>, transform_indices = @transform_2, window_bounds = array<i64: 64, 64>}, {pipeline_mode = #tpu.pipeline_mode<synchronous>, transform_indices = @transform_3, window_bounds = array<i64: 64, 64>}, {pipeline_mode = #tpu.pipeline_mode<synchronous>, transform_indices = @transform_4, window_bounds = array<i64: 64, 1>}, {transform_indices = @transform_5, window_bounds = array<i64: 1, 64, 1024>}]} {
    %get3A = arith.constant 0 : index
    %get3A_0 = arith.constant 0 : index
    %get3A_1 = vector.load %arg4[%get3A, %get3A_0] : memref<64x64xf32, #tpu.memory_space<vmem>>, vector<64x64xf32>
    %get3A_2 = arith.constant 0 : index
    %get3A_3 = arith.constant 0 : index
    %get3A_4 = arith.constant 0 : index
    %get3A_5 = vector.load %arg1[%get3A_2, %get3A_3, %get3A_4] : memref<1x64x1024xf32, #tpu.memory_space<vmem>>, vector<1x64x1024xf32>
    %get3A_6 = vector.shape_cast %get3A_5 : vector<1x64x1024xf32> to vector<64x1024xf32>
    %dot_general3A = arith.constant dense<0.000000e+00> : vector<64x1024xf32>
    %dot_general3A_7 = tpu.matmul %get3A_1, %get3A_6, %dot_general3A {dimension_numbers = #tpu.dot_dimension_numbers<[1], [0], [0], [1], [0, 0, 1, 1], [], []>, transpose_lhs_hint = false} : vector<64x64xf32>, vector<64x1024xf32>, vector<64x1024xf32> -> vector<64x1024xf32>
    %get3A_8 = arith.constant 0 : index
    %get3A_9 = arith.constant 0 : index
    %get3A_10 = vector.load %arg3[%get3A_8, %get3A_9] : memref<64x64xf32, #tpu.memory_space<vmem>>, vector<64x64xf32>
    %get3A_11 = arith.constant 0 : index
    %get3A_12 = arith.constant 0 : index
    %get3A_13 = arith.constant 0 : index
    %get3A_14 = vector.load %arg2[%get3A_11, %get3A_12, %get3A_13] : memref<1x1024x64xf32, #tpu.memory_space<vmem>>, vector<1x1024x64xf32>
    %get3A_15 = vector.shape_cast %get3A_14 : vector<1x1024x64xf32> to vector<1024x64xf32>
    %dot_general3A_16 = arith.constant dense<0.000000e+00> : vector<64x1024xf32>
    %dot_general3A_17 = tpu.matmul %get3A_10, %get3A_15, %dot_general3A_16 {dimension_numbers = #tpu.dot_dimension_numbers<[1], [1], [0], [0], [0, 0, 1, 0], [], []>, transpose_lhs_hint = false} : vector<64x64xf32>, vector<1024x64xf32>, vector<64x1024xf32> -> vector<64x1024xf32>
    %add3A = arith.addf %dot_general3A_7, %dot_general3A_17 : vector<64x1024xf32>
    %get3A_18 = arith.constant 0 : index
    %get3A_19 = arith.constant 0 : index
    %get3A_20 = vector.load %arg5[%get3A_18, %get3A_19] : memref<64x1xf32, #tpu.memory_space<vmem>>, vector<64x1xf32>
    %add3A_21 = vector.broadcast %get3A_20 : vector<64x1xf32> to vector<64x1024xf32>
    %add3A_22 = arith.addf %add3A, %add3A_21 : vector<64x1024xf32>
    %swap3A = arith.constant 0 : index
    %swap3A_23 = arith.constant 0 : index
    %swap3A_24 = arith.constant 0 : index
    %swap3A_25 = vector.load %arg6[%swap3A, %swap3A_23, %swap3A_24] : memref<1x64x1024xf32, #tpu.memory_space<vmem>>, vector<1x64x1024xf32>
    %swap3A_26 = vector.shape_cast %swap3A_25 : vector<1x64x1024xf32> to vector<64x1024xf32>
    %swap3A_27 = vector.shape_cast %add3A_22 : vector<64x1024xf32> to vector<1x64x1024xf32>
    tpu.vector_store %arg6[%swap3A, %swap3A_23, %swap3A_24], %swap3A_27 {strides = array<i32>} : memref<1x64x1024xf32, #tpu.memory_space<vmem>>, vector<1x64x1024xf32>,
    return
  }
  func.func @transform_0(%arg0: i32) -> (i32, i32, i32) {
    %c0_i32 = arith.constant 0 : i32
    %c0_i32_0 = arith.constant 0 : i32
    %c0_i32_1 = arith.constant 0 : i32
    return %arg0, %c0_i32, %c0_i32_0 : i32, i32, i32
  }
  func.func @transform_1(%arg0: i32) -> (i32, i32, i32) {
    %c0_i32 = arith.constant 0 : i32
    %c0_i32_0 = arith.constant 0 : i32
    %c0_i32_1 = arith.constant 0 : i32
    return %arg0, %c0_i32, %c0_i32_0 : i32, i32, i32
  }
  func.func @transform_2(%arg0: i32) -> (i32, i32) {
    %c0_i32 = arith.constant 0 : i32
    %c0_i32_0 = arith.constant 0 : i32
    %c0_i32_1 = arith.constant 0 : i32
    return %c0_i32, %c0_i32_0 : i32, i32
  }
  func.func @transform_3(%arg0: i32) -> (i32, i32) {
    %c0_i32 = arith.constant 0 : i32
    %c0_i32_0 = arith.constant 0 : i32
    %c0_i32_1 = arith.constant 0 : i32
    return %c0_i32, %c0_i32_0 : i32, i32
  }
  func.func @transform_4(%arg0: i32) -> (i32, i32) {
    %c0_i32 = arith.constant 0 : i32
    %c0_i32_0 = arith.constant 0 : i32
    %c0_i32_1 = arith.constant 0 : i32
    return %c0_i32, %c0_i32_0 : i32, i32
  }
  func.func @transform_5(%arg0: i32) -> (i32, i32, i32) {
    %c0_i32 = arith.constant 0 : i32
    %c0_i32_0 = arith.constant 0 : i32
    %c0_i32_1 = arith.constant 0 : i32
    return %arg0, %c0_i32, %c0_i32_0 : i32, i32, i32
  }
}

</mosaic_0001>

<sc_bundles>
// kernel: kernel.4.cloned.1.call-start
scs
__scs_entry_jumppad:
0x0: {  	(pc) =	sbr.rel $0x88, $3  }
0x1: {  	(tag) =	ssettag $0x0;
	lr =	simm.s32 $0x1  }
0x2: {  	[smem:$0x3F9B] =	sst lr;
	_ =	strace $0xD0000000  }
0x3: {  	_ = 	snop  }
0x4: {  	_ = 	snop  }
0x5: {  	_ = 	snop  }
0x6: {  	_ = 	snop  }
0x7: {  	_ = 	snop  }
__scs_overlays_trampoline_lowered:
0x8: {  	[smem:$0x3FAA] =	sst s0  }
0x9: {  	[smem:$0x3FAB] =	sst s1  }
0xa: {  	[smem:$0x3FAC] =	sst s2  }
0xb: {  	[smem:$0x3FAD] =	sst s3  }
0xc: {  	[smem:$0x3FAE] =	sst s4  }
0xd: {  	[smem:$0x3FAF] =	sst s5  }
0xe: {  	[smem:$0x3FB0] =	sst s6  }
0xf: {  	[smem:$0x3FB1] =	sst s7  }
0x10: {  	[smem:$0x3FB2] =	sst s8  }
0x11: {  	[smem:$0x3FB3] =	sst s9;
	s0 =	simm.s32 @!p0 $0x0  }
0x12: {  	s1 =	sld [smem:$0x3F99];
	s0 =	simm.s32 @p0 $0x1  }
0x13: {  	[smem:$0x3FB4] =	sst s0;
	s0 =	simm.s32 @!p1 $0x0  }
0x14: {  	s2 =	sld [smem:$0x3F98];
	s0 =	simm.s32 @p1 $0x1  }
0x15: {  	[smem:$0x3FB5] =	sst s0;
	s0 =	simm.s32 @!p2 $0x0  }
0x16: {  	s3 =	sld [smem:$0x3FDB];
	s0 =	simm.s32 @p2 $0x1  }
0x17: {  	s4 =	simm.s32 $0x1BF5;
	[smem:$0x3FB7] =	sst s0  }
0x18: {  	s0 =	sld [smem:$0x3F9A];
	_ =	swait.ge [sflag:s4], $0x0  }
0x19: {  	s7 =	sld [smem:$0x3F9B]  }
0x1a: {  	s8 =	sadd.s32 $0xFFFFE003, lr  }
0x1b: {  	s9 =	sadd.s32 $0xFFFFFEF7, lr;
	s5 =	simm.s32 $0xFFFFFFFF;
	p2 =	slt.u32 s8, $0xFFFFF086  }
0x1c: {  	p1 =	slt.u32 s9, $0xF7A;
	s5 =	simm.s32 @!p2 $0x0  }
0x1d: {  	s5 =	simm.s32 @p1 $0x1;
	p0 =	seq.s32 s7, s2  }
0x1e: {  	s7 =	smul.u32 @!p0 $0xF7A, s2;
	p2 =	seq.s32 @!p0 s5, $0x0  }
0x1f: {  	s9 =	smul.u32 $0xF7A, s1;
	s8 =	simm.s32 @!p0 $0x1BF5;
	p2 =	por !p2, p0  }
0x20: {  	[sflag:s8] =	ssyncset.s32 @!p0 $0xFFFFF086;
	s6 =	sadd.s32 @!p0 s3, s7;
	s7 =	simm.s32 @!p0 $0x108  }
0x21: {  	s3 =	sadd.s32 s3, s9;
	s6 =	sadd.s32 @!p0 $0x88, s6;
	s7 =	simm.s32 @p2 $0x1082  }
0x22: {  	[simem:s7], [sflag:s8] =	dma.local @!p0 [hbm:s6], $0xF7A  }
0x23: {  	s9 =	sor.u32 $0xD0000000, s2;
	s6 =	simm.s32 $0x108;
	_ =	swait.ge @!p0 [sflag:s8], $0x0  }
0x24: {  	s3 =	sadd.s32 $0x88, s3;
	s6 =	simm.s32 @!p1 $0x1082;
	[sflag:s4] =	ssyncset.s32 $0xFFFFF086  }
0x25: {  	[simem:s6], [sflag:s4] =	dma.local [hbm:s3], $0xF7A  }
0x26: {  	[smem:$0x3F9B] =	sst s1;
	(tag) =	ssettag s2;
	_ =	strace s9  }
0x27: {  	s1 =	sld [smem:$0x3FAB]  }
0x28: {  	s2 =	sld [smem:$0x3FAC]  }
0x29: {  	s4 =	sld [smem:$0x3FAE]  }
0x2a: {  	p0 =	seq.s32 s5, $0x0;
	s5 =	sld [smem:$0x3FAF]  }
0x2b: {  	s6 =	sld [smem:$0x3FB0]  }
0x2c: {  	s7 =	sld [smem:$0x3FB1]  }
0x2d: {  	s3 =	simm.s32 $0x108;
	s8 =	sld [smem:$0x3FB2]  }
0x2e: {  	s3 =	simm.s32 @!p0 $0x1082;
	s9 =	sld [smem:$0x3FB3]  }
0x2f: {  	lr =	sadd.s32 s0, s3;
	s0 =	sld [smem:$0x3FAA]  }
0x30: {  	s3 =	sld [smem:$0x3FAD]  }
0x31: {  	[smem:$0x3FB6] =	sst s10  }
0x32: {  	s10 =	sld [smem:$0x3FB4];
	_ =	sdelay $0x3  }
0x33: {  	p0 =	seq.s32 s10, $0x1;
	s10 =	sld [smem:$0x3FB6];
	_ =	sdelay $0x3  }
0x34: {  	[smem:$0x3FB6] =	sst s10  }
0x35: {  	s10 =	sld [smem:$0x3FB5];
	_ =	sdelay $0x3  }
0x36: {  	p1 =	seq.s32 s10, $0x1;
	s10 =	sld [smem:$0x3FB6];
	_ =	sdelay $0x3  }
0x37: {  	[smem:$0x3FB6] =	sst s10  }
0x38: {  	s10 =	sld [smem:$0x3FB7]  }
0x39: {  	_ = 	snop;
	(pc) =	sbr.ind lr, $3  }
0x3a: {  	_ = 	snop  }
0x3b: {  	_ = 	snop  }
0x3c: {  	p2 =	seq.s32 s10, $0x1;
	s10 =	sld [smem:$0x3FB6]  }
0x3d: {  	_ =	shalt  }
0x3e: {  	_ =	shalt  }
0x3f: {  	_ =	shalt  }
0x40: {  	_ =	shalt  }
0x41: {  	_ =	shalt  }
0x42: {  	_ =	shalt  }
0x43: {  	_ =	shalt  }
0x44: {  	_ =	shalt  }
0x45: {  	_ =	shalt  }
0x46: {  	_ =	shalt  }
0x47: {  	_ =	shalt  }
0x48: {  	_ =	shalt  }
0x49: {  	_ =	shalt  }
0x4a: {  	_ =	shalt  }
0x4b: {  	_ =	shalt  }
0x4c: {  	_ =	shalt  }
0x4d: {  	_ =	shalt  }
0x4e: {  	_ =	shalt  }
0x4f: {  	_ =	shalt  }
0x50: {  	_ =	shalt  }
0x51: {  	_ =	shalt  }
0x52: {  	_ =	shalt  }
0x53: {  	_ =	shalt  }
0x54: {  	_ =	shalt  }
0x55: {  	_ =	shalt  }
0x56: {  	_ =	shalt  }
0x57: {  	_ =	shalt  }
0x58: {  	_ =	shalt  }
0x59: {  	_ =	shalt  }
0x5a: {  	_ =	shalt  }
0x5b: {  	_ =	shalt  }
0x5c: {  	_ =	shalt  }
0x5d: {  	_ =	shalt  }
0x5e: {  	_ =	shalt  }
0x5f: {  	_ =	shalt  }
0x60: {  	_ =	shalt  }
0x61: {  	_ =	shalt  }
0x62: {  	_ =	shalt  }
0x63: {  	_ =	shalt  }
0x64: {  	_ =	shalt  }
0x65: {  	_ =	shalt  }
0x66: {  	_ =	shalt  }
0x67: {  	_ =	shalt  }
0x68: {  	_ =	shalt  }
0x69: {  	_ =	shalt  }
0x6a: {  	_ =	shalt  }
0x6b: {  	_ =	shalt  }
0x6c: {  	_ =	shalt  }
0x6d: {  	_ =	shalt  }
0x6e: {  	_ =	shalt  }
0x6f: {  	_ =	shalt  }
0x70: {  	_ =	shalt  }
0x71: {  	_ =	shalt  }
0x72: {  	_ =	shalt  }
0x73: {  	_ =	shalt  }
0x74: {  	_ =	shalt  }
0x75: {  	_ =	shalt  }
0x76: {  	_ =	shalt  }
0x77: {  	_ =	shalt  }
0x78: {  	_ =	shalt  }
0x79: {  	_ =	shalt  }
0x7a: {  	_ =	shalt  }
0x7b: {  	_ =	shalt  }
0x7c: {  	_ =	shalt  }
0x7d: {  	_ =	shalt  }
0x7e: {  	_ =	shalt  }
0x7f: {  	_ =	shalt  }
0x80: {  	_ =	shalt  }
0x81: {  	_ =	shalt  }
0x82: {  	_ =	shalt  }
0x83: {  	_ =	shalt  }
0x84: {  	_ =	shalt  }
0x85: {  	_ =	shalt  }
0x86: {  	_ =	shalt  }
0x87: {  	_ =	shalt  }
.Lfunc_end0:
.L_simem_size_0:
called_computation_lowered:
.L_overlay_start_0:
0x88: {  	s2 =	sld [smem:$0x3FD9]  }
0x89: {  	s3 =	sld [smem:$0x3FFE];
	_ =	sdelay $0x1  }
0x8a: {  	s1 =	srdreg.scid  }
0x8b: {  	s0 =	sand.u32 $0x1, s1  }
0x8c: {  	s17 =	sshll.u32 s0, $0xA;
	s2 =	sadd.s32 s3, s2  }
0x8d: {  	s2 =	sadd.s32 s2, s17  }
0x8e: {  	[smem:$0x3FC2] =	sst s2  }
0x8f: {  	_ = 	snop  }
0x90: {  	s2 =	sld [smem:$0x3FD0];
	(tm) =	ssettm $0x1  }
0x91: {  	s18 =	sld [smem:$0x3FFB];
	_ =	sdelay $0x3  }
0x92: {  	_ =	strace s18  }
0x93: {  	s3 =	sld [smem:$0x3FFC];
	_ =	sdelay $0x3  }
0x94: {  	_ =	strace s3  }
0x95: {  	s3 =	sld [smem:$0x3FFD];
	_ =	sdelay $0x3  }
0x96: {  	_ =	strace s3  }
0x97: {  	_ =	strace $0x8FFFFFFF  }
0x98: {  	s19 =	sld [smem:$0x3FDB];
	_ =	sdelay $0x1  }
0x99: {  	s4 =	simm.s32 $_scs_section_size  }
0x9a: {  	s5 =	simm.s32 $_size__tile_overlayer_lowered;
	s6 =	simm.s32 $_tile_overlayer_lowered  }
0x9b: {  	s22 =	simm.s32 $0x1BFF;
	s21 =	sshll.u32 s6, $0x1;
	s3 =	sadd.s32 s4, s19  }
0x9c: {  	s7 =	simm.s32 $0x0;
	s20 =	sshll.u32 s5, $0x1;
	s5 =	sadd.s32 s21, s3  }
0x9d: {  	[timem:s7], [sflag:s22] =	dma.local [hbm:s5], s20  }
0x9e: {  	_ =	swait.ge [sflag:s22], s20  }
0x9f: {  	s4 =	ssub.s32 $0x0, s20;
	[sflag:s22] =	ssyncset.done $0x0  }
0xa0: {  	[sflag:s22] =	ssyncadd.s32 s4;
	_ =	sdelay $0x1  }
0xa1: {  	s23 =	simm.s32 $0x1B8B  }
0xa2: {  	_ =	swait.ge [sflag:s23], $0x1  }
0xa3: {  	[sflag:s23] =	ssyncset.done $0x0  }
0xa4: {  	s25 =	simm.s32 $0x1B8E;
	s24 =	sld [smem:$0x3FFE];
	[sflag:s23] =	ssyncadd.s32 $0xFFFFFFFF  }
0xa5: {  	s26 =	simm.s32 $execute0_lowered;
	[smem:$0x3FD2] =	sst s25  }
0xa6: {  	s5 =	sshll.u32 s26, $0x1;
	_ =	strace $0x80000046;
	[dreg:$0x1] =	wrdreg $0xFFFFFFFF  }
0xa7: {  	s28 =	simm.s32 $_size_execute0_lowered;
	s3 =	sadd.s32 s3, s5;
	[dreg:$0x0] =	wrdreg $0x0  }
0xa8: {  	s5 =	sshll.u32 s28, $0x1;
	[dreg:$0x2] =	wrdreg s3  }
0xa9: {  	[dreg:$0x3] =	wrdreg s5  }
0xaa: {  	[dreg:$0x4] =	wrdreg $0xC0  }
0xab: {  	_ =	task [dreg:s7], $0x5FFFF  }
0xac: {  	[dreg:$0x1] =	wrdreg $0xFFFFFFFF  }
0xad: {  	[dreg:$0x0] =	wrdreg $0x60  }
0xae: {  	[dreg:$0x2] =	wrdreg s24  }
0xaf: {  	[dreg:$0x3] =	wrdreg s2  }
0xb0: {  	[dreg:$0x4] =	wrdreg $0x9  }
0xb1: {  	_ =	task.clear_ibuf [dreg:s7], $0x5FFFF;
	_ =	strace $0x90000046  }
0xb2: {  	s29 =	simm.s32 $0x9;
	_ =	strace $0x80000048  }
0xb3: {  	_ =	swait.ge [sflag:s29], $0x1  }
0xb4: {  	[sflag:s29] =	ssyncadd.s32 $0xFFFFFFFF  }
0xb5: {  	_ =	strace $0x90000048  }
0xb6: {  	_ =	sfence  }
0xb7: {  	s30 =	sld [smem:$0x0];
	_ =	sdelay $0x2  }
0xb8: {  	s31 =	sshll.u32 s1, $0xD;
	s1 =	sshrl.u32 s1, $0x2  }
0xb9: {  	s3 =	sand.u32 $0x4000, s31;
	s1 =	sadd.s32 s1, s30  }
0xba: {  	s0 =	sor.u32 s3, s0;
	s1 =	sshll.u32 s1, $0x11  }
0xbb: {  	s0 =	sor.u32 s1, s0  }
0xbc: {  	s0 =	sadd.s32 $0x8F2B, s0  }
0xbd: {  	[sflag:s0] =	ssyncadd.remote.s32 $0x1  }
0xbe: {  	_ =	sfence.sel $0xFFFF  }
0xbf: {  	[dreg:$0x0] =	wrdreg $0xFFFFFFFF;
	(pc) =	sbr.abs _section_cstart, $3  }
0xc0: {  	[dreg:$0x1] =	wrdreg $0xFFFFFFFF  }
0xc1: {  	_ =	task.clear_ibuf [dreg:s7], $0x2FFFF;
	_ =	strace $0x9FFFFFFF  }
0xc2: {  	(tm) =	ssettm $0x7FFFFFFF  }
0xc3: {  	_ =	shalt  }
tec
execute0_lowered:
.L_overlay_start_1:
0x0: {  	(tag) =	ssettag $0x1  }
0x1: {  	s1 =	srdreg.scid;
	s6 =	rddreg [dreg:$0x0]  }
0x2: {  	s0 =	stileid.u32;
	s2 =	rddreg [dreg:$0x1];
	s3 =	simm.s32 $0x0  }
0x3: {  	s9 =	simm.s32 $0x3;
	s10 =	simm.s32 $0x1900;
	s11 =	simm.s32 $0x80  }
0x4: {  	s12 =	simm.s32 $0x3200;
	s5 =	sand.u32 $0x1, s1;
	s30 =	sshll.u32 s0, $0x1  }
0x5: {  	s13 =	simm.s32 $0x5200;
	s14 =	simm.s32 $0x1;
	s4 =	sor.u32 s5, s30  }
0x6: {  	s15 =	simm.s32 $0x2;
	s1 =	rddreg [dreg:$0x2];
	s4 =	smul.u32 $0x1900, s4  }
0x7: {  	s16 =	simm.s32 $0x0;
	[smem:$0x7FF] =	sst s3;
	s8 =	ssub.s32 $0x2, s5  }
0x8: {  	_ =	strace $0x80000047;
	s31 =	sshrl.u32 s8, $0x1;
	s7 =	sshrl.u32 s4, $0x3  }
0x9: {  	s5 =	sadd.s32 $0xD200, s6;
	s8 =	ssub.s32 s8, s31;
	s7 =	sadd.s32 s7, s6  }
0xa: {  	s8 =	smax.u32 s8, $0x1;
	s6 =	sadd.s32 $0xA00, s7;
	s7 =	sadd.s32 $0x6E00, s7  }
.LBB2_1:
0xb: {  	[tilespmem:s3], [sflag:$0x3] =	stream.linear.gather [hbm4b:s6+s3], $0x1900, $0x38;
	[tilespmem:$0x7200] =	vst v63  }
0xc: {  	_ =	swait.ge [sflag:s9], $0x1900  }
0xd: {  	[sflag:s9] =	ssyncset.done $0x0  }
0xe: {  	[sflag:s9] =	ssyncadd.s32 $0xFFFFE700  }
0xf: {  	[tilespmem:s10], [sflag:$0x3] =	stream.linear.gather [hbm4b:s7+s3], $0x1900, $0x38;
	[tilespmem:$0x7200] =	vst v63  }
0x10: {  	_ =	swait.ge [sflag:s9], $0x1900  }
0x11: {  	[sflag:s9] =	ssyncset.done $0x0  }
0x12: {  	s17 =	simm.s32 $0x0;
	[sflag:s9] =	ssyncadd.s32 $0xFFFFE700  }
.LBB2_2:
0x13: {  	s18 =	sshll.u32 s17, $0x7  }
0x14: {  	[tilespmem:s12], [sflag:$0x1] =	stream.indirect.gather [hbm4b:s5+s11], $0x40, s18, s11, $0xb8;
	[tilespmem:$0x7200] =	vst v63  }
0x15: {  	s19 =	sadd.s32 $0x1900, s18  }
0x16: {  	[tilespmem:s13], [sflag:$0x2] =	stream.indirect.gather [hbm4b:s5+s11], $0x40, s19, s11, $0xb8;
	[tilespmem:$0x7200] =	vst v63  }
0x17: {  	_ =	swait.ge [sflag:s14], $0x2000  }
0x18: {  	[sflag:s14] =	ssyncset.done $0x0  }
0x19: {  	[sflag:s14] =	ssyncadd.s32 $0xFFFFE000  }
0x1a: {  	_ =	swait.ge [sflag:s15], $0x2000  }
0x1b: {  	[sflag:s15] =	ssyncset.done $0x0  }
0x1c: {  	s19 =	simm.s32 $0x0;
	[sflag:s15] =	ssyncadd.s32 $0xFFFFE000  }
0x1d: {  	v5 =	vld [tilespmem:s19+$0x5200]  }
0x1e: {  	v6 =	vld [tilespmem:s19+$0x5210]  }
0x1f: {  	v1 =	vld [tilespmem:s19+$0x5220]  }
0x20: {  	v0 =	vld [tilespmem:s19+$0x5230]  }
0x21: {  	v2 =	vld [tilespmem:s19+$0x3200]  }
0x22: {  	v4 =	vld [tilespmem:s19+$0x3210]  }
0x23: {  	s20 =	simm.s32 $0x100;
	v3 =	vld [tilespmem:s19+$0x3220]  }
.LBB2_3:
0x24: {  	s21 =	sshra.s32 s20, $0x2;
	p0 =	sne.s32 s20, $0x7F00;
	v7 =	vld [tilespmem:s19+$0x3230];
	v8 =	vmov v1  }
0x25: {  	v9 =	vld [tilespmem:s21+$0x5200];
	v10 =	vmov v0  }
0x26: {  	v11 =	vld [tilespmem:s21+$0x5210];
	v2 =	vadd.f32 v5, v2  }
.Ltmp0:
0x27: {  	v1 =	vld [tilespmem:s21+$0x5220];
	v4 =	vadd.f32 v6, v4;
	(pc) =	sbr.rel @p0 .LBB2_3-.Ltmp0, $4  }
0x28: {  	v0 =	vld [tilespmem:s21+$0x5230];
	[tilespmem:s19+$0x3200] =	vst v2;
	v3 =	vadd.f32 v8, v3  }
0x29: {  	v2 =	vld [tilespmem:s21+$0x3200];
	[tilespmem:s19+$0x3210] =	vst v4;
	v7 =	vadd.f32 v10, v7  }
0x2a: {  	v4 =	vld [tilespmem:s21+$0x3210];
	[tilespmem:s19+$0x3220] =	vst v3;
	v5 =	vmov v9  }
0x2b: {  	s20 =	sadd.s32 $0x100, s20;
	v3 =	vld [tilespmem:s21+$0x3220];
	[tilespmem:s19+$0x3230] =	vst v7;
	v6 =	vmov v11;
	s19 =	smov.u32 s21  }
0x2c: {  	v7 =	vld [tilespmem:s19+$0x3230];
	_ =	sdelay $0x1  }
0x2d: {  	v2 =	vadd.f32 v5, v2  }
0x2e: {  	v4 =	vadd.f32 v6, v4  }
0x2f: {  	[tilespmem:s19+$0x3200] =	vst v2;
	v1 =	vadd.f32 v1, v3  }
0x30: {  	s18 =	sadd.s32 s4, s18;
	s17 =	sadd.s32 $0x1, s17;
	[tilespmem:s19+$0x3210] =	vst v4;
	v0 =	vadd.f32 v0, v7  }
0x31: {  	s18 =	sshll.u32 s18, $0x3;
	p0 =	sne.s32 s17, $0x32;
	[tilespmem:s19+$0x3220] =	vst v1  }
.Ltmp1:
0x32: {  	s18 =	sadd.s32 s2, s18;
	[tilespmem:s19+$0x3230] =	vst v0;
	(pc) =	sbr.rel @p0 .LBB2_2-.Ltmp1, $4  }
0x33: {  	[hbm4b:s18+s3] =	stream.linear.scatter [tilespmem:s12], [sflag:$0x3], $0x2000, $0x38;
	[tilespmem:$0x7200] =	vst v63  }
0x34: {  	_ =	swait.ge [sflag:s9], $0x2000  }
0x35: {  	[sflag:s9] =	ssyncset.done $0x0  }
0x36: {  	[sflag:s9] =	ssyncadd.s32 $0xFFFFE000  }
0x37: {  	s16 =	sadd.s32 $0x1, s16  }
0x38: {  	p0 =	sne.s32 s16, s8  }
.Ltmp2:
0x39: {  	_ = 	snop;
	(pc) =	sbr.rel @p0 .LBB2_1-.Ltmp2, $1  }
0x3a: {  	_ =	sdelay $0x3  }
0x3b: {  	_ =	sfence.sel $0x180000  }
0x3c: {  	[bflag:$0x0] =	sbarrier.arrive $0xFFFF  }
0x3d: {  	p0 =	sne.s32 s0, $0x0;
	_ =	strace $0x90000047  }
0x3e: {  	s0 =	sadd.s32 @!p0 $0x100000, s1;
	[bflag:$0x2] =	sbarrier.arrive $0xFFFF  }
0x3f: {  	[sflag:s0] =	ssyncadd.tile.s32 @!p0 $0x1;
	_ =	shalt  }
.Lfunc_end2:
_tile_overlayer_lowered:
.L_overlay_start_2:
0x40: {  	(tag) =	ssettag $0x2  }
0x41: {  	s0 =	rddreg [dreg:$0x0];
	s2 =	stileid.u32  }
0x42: {  	s1 =	rddreg [dreg:$0x1];
	p0 =	sne.s32 s2, $0x0  }
0x43: {  	s3 =	rddreg [dreg:$0x2];
	[bflag:$0x3] =	sbarrier.arrive $0xFFFF;
	s2 =	simm.s32 @!p0 $0x1C03  }
0x44: {  	[timem:s3], [sflag:s2] =	dma.local @!p0 [hbm:s0], s1  }
0x45: {  	s0 =	simm.s32 @!p0 $0x3  }
0x46: {  	_ =	swait.ge @!p0 [sflag:s0], s1  }
0x47: {  	s1 =	ssub.s32 @!p0 $0x0, s1;
	[sflag:s0] =	ssyncset.done @!p0 $0x0  }
0x48: {  	[sflag:s0] =	ssyncadd.s32 @!p0 s1  }
0x49: {  	[bflag:$0x3] =	sbarrier.arrive $0xFFFF  }
0x4a: {  	_ =	shalt  }

</sc_bundles>
